<compile_context>
chip_gen: v7x
topology: tpu7x:2x2x1
jax: 0.10.2.dev20260603
libtpu: 0.0.44.dev20260713+nightly
codegen_flags: <defaults>
</compile_context>

<pallas_src>
import functools

import jax
import jax.numpy as jnp
from jax import lax
from jax.experimental import pallas as pl
from jax.experimental.pallas import tpu as pltpu
from jax.experimental.pallas import tpu_sc as plsc

N = 320000
C = 128
NUM_SEGMENTS = 16
EPS = 1e-6
BR = 16000

SC_CORES = 2
SC_SUBCORES = 16
SC_WORKERS = SC_CORES * SC_SUBCORES
SC_CHUNK = N // SC_WORKERS
SC_LANES = 16


def _sc_counts_kernel(seg_hbm, out_hbm, ids_v, cnt_v):
    wid = lax.axis_index("s") * SC_CORES + lax.axis_index("c")
    base = wid * SC_CHUNK
    pltpu.sync_copy(seg_hbm.at[pl.ds(base, SC_CHUNK)], ids_v)

    tvs = [jnp.full((SC_LANES,), t, jnp.int32) for t in range(NUM_SEGMENTS)]
    one = jnp.ones((SC_LANES,), jnp.int32)
    zero = jnp.zeros((SC_LANES,), jnp.int32)

    def body(i, accs):
        v = ids_v[pl.ds(i * SC_LANES, SC_LANES)]
        return tuple(acc + jnp.where(v == tv, one, zero)
                     for acc, tv in zip(accs, tvs))

    accs = lax.fori_loop(0, SC_CHUNK // SC_LANES, body,
                         tuple(zero for _ in range(NUM_SEGMENTS)))
    for t in range(NUM_SEGMENTS):
        cnt_v[t] = accs[t]
    pltpu.sync_copy(cnt_v, out_hbm.at[wid])


_sc_counts = functools.partial(
    pl.kernel,
    out_type=jax.ShapeDtypeStruct((SC_WORKERS, NUM_SEGMENTS, SC_LANES),
                                  jnp.int32),
    scratch_types=[
        pltpu.VMEM((SC_CHUNK,), jnp.int32),
        pltpu.VMEM((NUM_SEGMENTS, SC_LANES), jnp.int32),
    ],
    mesh=plsc.VectorSubcoreMesh(core_axis_name="c", subcore_axis_name="s"),
)(_sc_counts_kernel)


def _onehot_t(seg_ref):
    seg = seg_ref[0, 0, :]
    segb = jnp.broadcast_to(seg[None, :], (NUM_SEGMENTS, BR))
    tid = jax.lax.broadcasted_iota(jnp.int32, (NUM_SEGMENTS, BR), 0)
    return (segb == tid).astype(jnp.float32)


def _stats_kernel(x_ref, seg_ref, sums_ref):
    @pl.when(pl.program_id(0) == 0)
    def _():
        sums_ref[...] = jnp.zeros_like(sums_ref)

    xb = x_ref[...]
    oh = _onehot_t(seg_ref)
    ps = jax.lax.dot_general(
        oh, xb, (((1,), (0,)), ((), ())),
        preferred_element_type=jnp.float32)
    pq = jax.lax.dot_general(
        oh, xb * xb, (((1,), (0,)), ((), ())),
        preferred_element_type=jnp.float32)
    sums_ref[:, :C] += ps
    sums_ref[:, C:] += pq


def _norm_kernel(x_ref, seg_ref, stats_ref, cparts_ref, w_ref, b_ref,
                 out_ref):
    counts = jnp.sum(cparts_ref[...].astype(jnp.float32), axis=1)
    cnt = jnp.maximum(counts, 1.0)[:, None]
    inv = 1.0 / cnt
    mean = stats_ref[:, :C] * inv
    msq = stats_ref[:, C:] * inv
    var = msq - mean * mean
    instd = jax.lax.rsqrt(var + EPS)
    scale = instd * w_ref[...]
    shift = b_ref[...] - mean * scale
    st = jnp.concatenate([scale, shift], axis=1)

    oh = _onehot_t(seg_ref)
    ST = jax.lax.dot_general(
        oh, st, (((0,), (0,)), ((), ())),
        preferred_element_type=jnp.float32)
    out_ref[...] = x_ref[...] * ST[:, :C] + ST[:, C:]


def kernel(x, segment_ids, weight, bias):
    seg_i32 = segment_ids.astype(jnp.int32)
    seg3d = seg_i32.reshape(N // BR, 1, BR)
    grid = (N // BR,)

    stats = pl.pallas_call(
        _stats_kernel,
        grid=grid,
        in_specs=[
            pl.BlockSpec((BR, C), lambda i: (i, 0)),
            pl.BlockSpec((1, 1, BR), lambda i: (i, 0, 0)),
        ],
        out_specs=pl.BlockSpec((NUM_SEGMENTS, 2 * C), lambda i: (0, 0)),
        out_shape=jax.ShapeDtypeStruct((NUM_SEGMENTS, 2 * C), jnp.float32),
    )(x, seg3d)

    cparts = _sc_counts(seg_i32)
    cparts_t = cparts.transpose(1, 0, 2).reshape(NUM_SEGMENTS,
                                                 SC_WORKERS * SC_LANES)

    out = pl.pallas_call(
        _norm_kernel,
        grid=grid,
        in_specs=[
            pl.BlockSpec((BR, C), lambda i: (i, 0)),
            pl.BlockSpec((1, 1, BR), lambda i: (i, 0, 0)),
            pl.BlockSpec((NUM_SEGMENTS, 2 * C), lambda i: (0, 0)),
            pl.BlockSpec((NUM_SEGMENTS, SC_WORKERS * SC_LANES),
                         lambda i: (0, 0)),
            pl.BlockSpec((1, C), lambda i: (0, 0)),
            pl.BlockSpec((1, C), lambda i: (0, 0)),
        ],
        out_specs=pl.BlockSpec((BR, C), lambda i: (i, 0)),
        out_shape=jax.ShapeDtypeStruct((N, C), jnp.float32),
    )(x, seg3d, stats, cparts_t, weight, bias)
    return out

# --- scband reference (transcript-rebuilt; emitter-appended) ---
"""Pipeline reference for scband-minkowski-stable-instance-norm-75883482186009 (READ-ONLY COPY).

The authoritative reference and input builder live on the scoring server;
editing this copy changes nothing except your own understanding.
"""

import jax, jax.numpy as jnp
import numpy as np

N = 320000
C = 128
NUM_SEGMENTS = 16
EPS = 1e-6

def setup_inputs(seed: int = 0) -> dict:
    key = jax.random.key(seed)
    k1, k2 = jax.random.split(key)
    x = jax.random.normal(k1, (N, C), dtype=jnp.float32)
    segment_ids = jnp.sort(jax.random.randint(k2, (N,), 0, NUM_SEGMENTS, dtype=jnp.int64))
    weight = jnp.ones((1, C), dtype=jnp.float32)
    bias = jnp.zeros((1, C), dtype=jnp.float32)
    return {"x": x, "segment_ids": segment_ids, "weight": weight, "bias": bias}

def reference(x, segment_ids, weight, bias):
    # Per-instance (segment) global mean: mean_in(-x) == -mean(x)
    ones = jnp.ones((x.shape[0],), dtype=x.dtype)
    counts = jax.ops.segment_sum(ones, segment_ids, num_segments=NUM_SEGMENTS)
    counts = jnp.maximum(counts, 1.0)[:, None]
    sums = jax.ops.segment_sum(x, segment_ids, num_segments=NUM_SEGMENTS)
    neg_mean_in = -(sums / counts)
    # Broadcast-add: centered_in = x + neg_mean
    centered_in = x + neg_mean_in[segment_ids]
    # Per-segment mean of squares -> variance
    sq_sums = jax.ops.segment_sum(centered_in ** 2, segment_ids, num_segments=NUM_SEGMENTS)
    var_in = sq_sums / counts
    instd_in = 1.0 / jnp.sqrt(var_in + EPS)
    # Broadcast-multiply normalized features
    out = (x + neg_mean_in[segment_ids]) * instd_in[segment_ids]
    return out * weight + bias

if __name__ == "__main__":
    import jax
    _d = setup_inputs()
    print(jax.jit(kernel)(*tuple(_d.values())))

</pallas_src>

<mosaic_0001>
#map = affine_map<(d0, d1) -> (0)>
#map1 = affine_map<(d0, d1) -> (0, 0, 0)>
module attributes {stable_mosaic.version = 14 : i64} {
  func.func @_sc_counts_kernel(%arg0: i32, %arg1: i32, %arg2: memref<320000xi32, #tpu.memory_space<hbm>>, %arg3: memref<32x16x16xi32, #tpu.memory_space<hbm>>, %arg4: memref<10000xi32, #tpu.memory_space<vmem>>, %arg5: memref<16x16xi32, #tpu.memory_space<vmem>>) attributes {dimension_semantics = [#tpu.dimension_semantics<core_parallel>, #tpu.dimension_semantics<subcore_parallel>], iteration_bounds = array<i64: 2, 16>, scalar_prefetch = 0 : i64, scratch_operands = 2 : i64, tpu.core_type = #tpu.core_type<sc_vector_subcore>, window_params = [{transform_indices = #map}, {transform_indices = #map1}]} {
    %mul3A = arith.constant 2 : i32
    %mul3A_0 = arith.muli %arg1, %mul3A : i32
    %add3A = arith.addi %mul3A_0, %arg0 : i32
    %mul3A_1 = arith.constant 10000 : i32
    %mul3A_2 = arith.muli %add3A, %mul3A_1 : i32
    "tpu.region"() ({
      %run_scoped3A = tpu.sem_alloc : memref<!tpu.dma_semaphore, #tpu.memory_space<semaphore_mem>>
      %dma_start3A = tpu.memref_slice %arg2[%mul3A_2] : memref<320000xi32, #tpu.memory_space<hbm>> -> memref<10000xi32, #tpu.memory_space<hbm>>
      %dma_start3A_138 = tpu.memref_slice %arg2[%mul3A_2] : memref<320000xi32, #tpu.memory_space<hbm>> -> memref<10000xi32, #tpu.memory_space<hbm>>
      tpu.enqueue_dma source(%dma_start3A_138 : memref<10000xi32, #tpu.memory_space<hbm>>) target(%arg4 : memref<10000xi32, #tpu.memory_space<vmem>>) target_semaphore(%run_scoped3A : memref<!tpu.dma_semaphore, #tpu.memory_space<semaphore_mem>>)
      %dma_wait3A = tpu.memref_slice %arg2[%mul3A_2] : memref<320000xi32, #tpu.memory_space<hbm>> -> memref<10000xi32, #tpu.memory_space<hbm>>
      %dma_wait3A_139 = tpu.memref_slice %arg2[%mul3A_2] : memref<320000xi32, #tpu.memory_space<hbm>> -> memref<10000xi32, #tpu.memory_space<hbm>>
      tpu.wait_dma2 semaphore(%run_scoped3A : memref<!tpu.dma_semaphore, #tpu.memory_space<semaphore_mem>>) src(%dma_wait3A_139 : memref<10000xi32, #tpu.memory_space<hbm>>) dst(%arg4 : memref<10000xi32, #tpu.memory_space<vmem>>)
      tpu.yield
    }) : () -> ()
    %broadcast_in_dim3A = arith.constant 0 : i32
    %broadcast_in_dim3A_3 = vector.broadcast %broadcast_in_dim3A : i32 to vector<16xi32>
    %broadcast_in_dim3A_4 = arith.constant 1 : i32
    %broadcast_in_dim3A_5 = vector.broadcast %broadcast_in_dim3A_4 : i32 to vector<16xi32>
    %broadcast_in_dim3A_6 = arith.constant 2 : i32
    %broadcast_in_dim3A_7 = vector.broadcast %broadcast_in_dim3A_6 : i32 to vector<16xi32>
    %broadcast_in_dim3A_8 = arith.constant 3 : i32
    %broadcast_in_dim3A_9 = vector.broadcast %broadcast_in_dim3A_8 : i32 to vector<16xi32>
    %broadcast_in_dim3A_10 = arith.constant 4 : i32
    %broadcast_in_dim3A_11 = vector.broadcast %broadcast_in_dim3A_10 : i32 to vector<16xi32>
    %broadcast_in_dim3A_12 = arith.constant 5 : i32
    %broadcast_in_dim3A_13 = vector.broadcast %broadcast_in_dim3A_12 : i32 to vector<16xi32>
    %broadcast_in_dim3A_14 = arith.constant 6 : i32
    %broadcast_in_dim3A_15 = vector.broadcast %broadcast_in_dim3A_14 : i32 to vector<16xi32>
    %broadcast_in_dim3A_16 = arith.constant 7 : i32
    %broadcast_in_dim3A_17 = vector.broadcast %broadcast_in_dim3A_16 : i32 to vector<16xi32>
    %broadcast_in_dim3A_18 = arith.constant 8 : i32
    %broadcast_in_dim3A_19 = vector.broadcast %broadcast_in_dim3A_18 : i32 to vector<16xi32>
    %broadcast_in_dim3A_20 = arith.constant 9 : i32
    %broadcast_in_dim3A_21 = vector.broadcast %broadcast_in_dim3A_20 : i32 to vector<16xi32>
    %broadcast_in_dim3A_22 = arith.constant 10 : i32
    %broadcast_in_dim3A_23 = vector.broadcast %broadcast_in_dim3A_22 : i32 to vector<16xi32>
    %broadcast_in_dim3A_24 = arith.constant 11 : i32
    %broadcast_in_dim3A_25 = vector.broadcast %broadcast_in_dim3A_24 : i32 to vector<16xi32>
    %broadcast_in_dim3A_26 = arith.constant 12 : i32
    %broadcast_in_dim3A_27 = vector.broadcast %broadcast_in_dim3A_26 : i32 to vector<16xi32>
    %broadcast_in_dim3A_28 = arith.constant 13 : i32
    %broadcast_in_dim3A_29 = vector.broadcast %broadcast_in_dim3A_28 : i32 to vector<16xi32>
    %broadcast_in_dim3A_30 = arith.constant 14 : i32
    %broadcast_in_dim3A_31 = vector.broadcast %broadcast_in_dim3A_30 : i32 to vector<16xi32>
    %broadcast_in_dim3A_32 = arith.constant 15 : i32
    %broadcast_in_dim3A_33 = vector.broadcast %broadcast_in_dim3A_32 : i32 to vector<16xi32>
    %broadcast_in_dim3A_34 = arith.constant 1 : i32
    %broadcast_in_dim3A_35 = vector.broadcast %broadcast_in_dim3A_34 : i32 to vector<16xi32>
    %broadcast_in_dim3A_36 = arith.constant 0 : i32
    %broadcast_in_dim3A_37 = vector.broadcast %broadcast_in_dim3A_36 : i32 to vector<16xi32>
    %scan3A = arith.constant 0 : i32
    %scan3A_38 = arith.constant 625 : i32
    %scan3A_39 = arith.addi %scan3A, %scan3A_38 : i32
    %scan3A_40 = arith.constant 1 : i32
    %scan3A_41:16 = scf.for %scan3A_138 = %scan3A to %scan3A_39 step %scan3A_40 iter_args(%scan3A_139 = %broadcast_in_dim3A_37, %scan3A_140 = %broadcast_in_dim3A_37, %scan3A_141 = %broadcast_in_dim3A_37, %scan3A_142 = %broadcast_in_dim3A_37, %scan3A_143 = %broadcast_in_dim3A_37, %scan3A_144 = %broadcast_in_dim3A_37, %scan3A_145 = %broadcast_in_dim3A_37, %scan3A_146 = %broadcast_in_dim3A_37, %scan3A_147 = %broadcast_in_dim3A_37, %scan3A_148 = %broadcast_in_dim3A_37, %scan3A_149 = %broadcast_in_dim3A_37, %scan3A_150 = %broadcast_in_dim3A_37, %scan3A_151 = %broadcast_in_dim3A_37, %scan3A_152 = %broadcast_in_dim3A_37, %scan3A_153 = %broadcast_in_dim3A_37, %scan3A_154 = %broadcast_in_dim3A_37) -> (vector<16xi32>, vector<16xi32>, vector<16xi32>, vector<16xi32>, vector<16xi32>, vector<16xi32>, vector<16xi32>, vector<16xi32>, vector<16xi32>, vector<16xi32>, vector<16xi32>, vector<16xi32>, vector<16xi32>, vector<16xi32>, vector<16xi32>, vector<16xi32>)  : i32 {
      %mul3A_155 = arith.constant 16 : i32
      %mul3A_156 = arith.muli %scan3A_138, %mul3A_155 : i32
      %get3A = arith.index_cast %mul3A_156 : i32 to index
      %get3A_157 = tpu.vector_load %arg4[%get3A] {strides = array<i32>} : memref<10000xi32, #tpu.memory_space<vmem>>, vector<16xi32>,
      %get3A_158 = vector.shape_cast %get3A_157 : vector<16xi32> to vector<16xi32>
      %eq3A = arith.cmpi eq, %get3A_158, %broadcast_in_dim3A_3 : vector<16xi32>
      %select_n3A = arith.select %eq3A, %broadcast_in_dim3A_35, %broadcast_in_dim3A_37 : vector<16xi1>, vector<16xi32>
      %add3A_159 = arith.addi %scan3A_139, %select_n3A : vector<16xi32>
      %eq3A_160 = arith.cmpi eq, %get3A_158, %broadcast_in_dim3A_5 : vector<16xi32>
      %select_n3A_161 = arith.select %eq3A_160, %broadcast_in_dim3A_35, %broadcast_in_dim3A_37 : vector<16xi1>, vector<16xi32>
      %add3A_162 = arith.addi %scan3A_140, %select_n3A_161 : vector<16xi32>
      %eq3A_163 = arith.cmpi eq, %get3A_158, %broadcast_in_dim3A_7 : vector<16xi32>
      %select_n3A_164 = arith.select %eq3A_163, %broadcast_in_dim3A_35, %broadcast_in_dim3A_37 : vector<16xi1>, vector<16xi32>
      %add3A_165 = arith.addi %scan3A_141, %select_n3A_164 : vector<16xi32>
      %eq3A_166 = arith.cmpi eq, %get3A_158, %broadcast_in_dim3A_9 : vector<16xi32>
      %select_n3A_167 = arith.select %eq3A_166, %broadcast_in_dim3A_35, %broadcast_in_dim3A_37 : vector<16xi1>, vector<16xi32>
      %add3A_168 = arith.addi %scan3A_142, %select_n3A_167 : vector<16xi32>
      %eq3A_169 = arith.cmpi eq, %get3A_158, %broadcast_in_dim3A_11 : vector<16xi32>
      %select_n3A_170 = arith.select %eq3A_169, %broadcast_in_dim3A_35, %broadcast_in_dim3A_37 : vector<16xi1>, vector<16xi32>
      %add3A_171 = arith.addi %scan3A_143, %select_n3A_170 : vector<16xi32>
      %eq3A_172 = arith.cmpi eq, %get3A_158, %broadcast_in_dim3A_13 : vector<16xi32>
      %select_n3A_173 = arith.select %eq3A_172, %broadcast_in_dim3A_35, %broadcast_in_dim3A_37 : vector<16xi1>, vector<16xi32>
      %add3A_174 = arith.addi %scan3A_144, %select_n3A_173 : vector<16xi32>
      %eq3A_175 = arith.cmpi eq, %get3A_158, %broadcast_in_dim3A_15 : vector<16xi32>
      %select_n3A_176 = arith.select %eq3A_175, %broadcast_in_dim3A_35, %broadcast_in_dim3A_37 : vector<16xi1>, vector<16xi32>
      %add3A_177 = arith.addi %scan3A_145, %select_n3A_176 : vector<16xi32>
      %eq3A_178 = arith.cmpi eq, %get3A_158, %broadcast_in_dim3A_17 : vector<16xi32>
      %select_n3A_179 = arith.select %eq3A_178, %broadcast_in_dim3A_35, %broadcast_in_dim3A_37 : vector<16xi1>, vector<16xi32>
      %add3A_180 = arith.addi %scan3A_146, %select_n3A_179 : vector<16xi32>
      %eq3A_181 = arith.cmpi eq, %get3A_158, %broadcast_in_dim3A_19 : vector<16xi32>
      %select_n3A_182 = arith.select %eq3A_181, %broadcast_in_dim3A_35, %broadcast_in_dim3A_37 : vector<16xi1>, vector<16xi32>
      %add3A_183 = arith.addi %scan3A_147, %select_n3A_182 : vector<16xi32>
      %eq3A_184 = arith.cmpi eq, %get3A_158, %broadcast_in_dim3A_21 : vector<16xi32>
      %select_n3A_185 = arith.select %eq3A_184, %broadcast_in_dim3A_35, %broadcast_in_dim3A_37 : vector<16xi1>, vector<16xi32>
      %add3A_186 = arith.addi %scan3A_148, %select_n3A_185 : vector<16xi32>
      %eq3A_187 = arith.cmpi eq, %get3A_158, %broadcast_in_dim3A_23 : vector<16xi32>
      %select_n3A_188 = arith.select %eq3A_187, %broadcast_in_dim3A_35, %broadcast_in_dim3A_37 : vector<16xi1>, vector<16xi32>
      %add3A_189 = arith.addi %scan3A_149, %select_n3A_188 : vector<16xi32>
      %eq3A_190 = arith.cmpi eq, %get3A_158, %broadcast_in_dim3A_25 : vector<16xi32>
      %select_n3A_191 = arith.select %eq3A_190, %broadcast_in_dim3A_35, %broadcast_in_dim3A_37 : vector<16xi1>, vector<16xi32>
      %add3A_192 = arith.addi %scan3A_150, %select_n3A_191 : vector<16xi32>
      %eq3A_193 = arith.cmpi eq, %get3A_158, %broadcast_in_dim3A_27 : vector<16xi32>
      %select_n3A_194 = arith.select %eq3A_193, %broadcast_in_dim3A_35, %broadcast_in_dim3A_37 : vector<16xi1>, vector<16xi32>
      %add3A_195 = arith.addi %scan3A_151, %select_n3A_194 : vector<16xi32>
      %eq3A_196 = arith.cmpi eq, %get3A_158, %broadcast_in_dim3A_29 : vector<16xi32>
      %select_n3A_197 = arith.select %eq3A_196, %broadcast_in_dim3A_35, %broadcast_in_dim3A_37 : vector<16xi1>, vector<16xi32>
      %add3A_198 = arith.addi %scan3A_152, %select_n3A_197 : vector<16xi32>
      %eq3A_199 = arith.cmpi eq, %get3A_158, %broadcast_in_dim3A_31 : vector<16xi32>
      %select_n3A_200 = arith.select %eq3A_199, %broadcast_in_dim3A_35, %broadcast_in_dim3A_37 : vector<16xi1>, vector<16xi32>
      %add3A_201 = arith.addi %scan3A_153, %select_n3A_200 : vector<16xi32>
      %eq3A_202 = arith.cmpi eq, %get3A_158, %broadcast_in_dim3A_33 : vector<16xi32>
      %select_n3A_203 = arith.select %eq3A_202, %broadcast_in_dim3A_35, %broadcast_in_dim3A_37 : vector<16xi1>, vector<16xi32>
      %add3A_204 = arith.addi %scan3A_154, %select_n3A_203 : vector<16xi32>
      scf.yield %add3A_159, %add3A_162, %add3A_165, %add3A_168, %add3A_171, %add3A_174, %add3A_177, %add3A_180, %add3A_183, %add3A_186, %add3A_189, %add3A_192, %add3A_195, %add3A_198, %add3A_201, %add3A_204 : vector<16xi32>, vector<16xi32>, vector<16xi32>, vector<16xi32>, vector<16xi32>, vector<16xi32>, vector<16xi32>, vector<16xi32>, vector<16xi32>, vector<16xi32>, vector<16xi32>, vector<16xi32>, vector<16xi32>, vector<16xi32>, vector<16xi32>, vector<16xi32>
    }
    %scan3A_42 = arith.constant 625 : i32
    %swap3A = arith.constant 0 : i32
    %swap3A_43 = arith.index_cast %swap3A : i32 to index
    %swap3A_44 = arith.constant 0 : index
    %swap3A_45 = tpu.vector_load %arg5[%swap3A_43, %swap3A_44] {strides = array<i32>} : memref<16x16xi32, #tpu.memory_space<vmem>>, vector<1x16xi32>,
    %swap3A_46 = vector.shape_cast %swap3A_45 : vector<1x16xi32> to vector<16xi32>
    %swap3A_47 = vector.shape_cast %scan3A_41#0 : vector<16xi32> to vector<1x16xi32>
    tpu.vector_store %arg5[%swap3A_43, %swap3A_44], %swap3A_47 {strides = array<i32>} : memref<16x16xi32, #tpu.memory_space<vmem>>, vector<1x16xi32>,
    %swap3A_48 = arith.constant 1 : i32
    %swap3A_49 = arith.index_cast %swap3A_48 : i32 to index
    %swap3A_50 = arith.constant 0 : index
    %swap3A_51 = tpu.vector_load %arg5[%swap3A_49, %swap3A_50] {strides = array<i32>} : memref<16x16xi32, #tpu.memory_space<vmem>>, vector<1x16xi32>,
    %swap3A_52 = vector.shape_cast %swap3A_51 : vector<1x16xi32> to vector<16xi32>
    %swap3A_53 = vector.shape_cast %scan3A_41#1 : vector<16xi32> to vector<1x16xi32>
    tpu.vector_store %arg5[%swap3A_49, %swap3A_50], %swap3A_53 {strides = array<i32>} : memref<16x16xi32, #tpu.memory_space<vmem>>, vector<1x16xi32>,
    %swap3A_54 = arith.constant 2 : i32
    %swap3A_55 = arith.index_cast %swap3A_54 : i32 to index
    %swap3A_56 = arith.constant 0 : index
    %swap3A_57 = tpu.vector_load %arg5[%swap3A_55, %swap3A_56] {strides = array<i32>} : memref<16x16xi32, #tpu.memory_space<vmem>>, vector<1x16xi32>,
    %swap3A_58 = vector.shape_cast %swap3A_57 : vector<1x16xi32> to vector<16xi32>
    %swap3A_59 = vector.shape_cast %scan3A_41#2 : vector<16xi32> to vector<1x16xi32>
    tpu.vector_store %arg5[%swap3A_55, %swap3A_56], %swap3A_59 {strides = array<i32>} : memref<16x16xi32, #tpu.memory_space<vmem>>, vector<1x16xi32>,
    %swap3A_60 = arith.constant 3 : i32
    %swap3A_61 = arith.index_cast %swap3A_60 : i32 to index
    %swap3A_62 = arith.constant 0 : index
    %swap3A_63 = tpu.vector_load %arg5[%swap3A_61, %swap3A_62] {strides = array<i32>} : memref<16x16xi32, #tpu.memory_space<vmem>>, vector<1x16xi32>,
    %swap3A_64 = vector.shape_cast %swap3A_63 : vector<1x16xi32> to vector<16xi32>
    %swap3A_65 = vector.shape_cast %scan3A_41#3 : vector<16xi32> to vector<1x16xi32>
    tpu.vector_store %arg5[%swap3A_61, %swap3A_62], %swap3A_65 {strides = array<i32>} : memref<16x16xi32, #tpu.memory_space<vmem>>, vector<1x16xi32>,
    %swap3A_66 = arith.constant 4 : i32
    %swap3A_67 = arith.index_cast %swap3A_66 : i32 to index
    %swap3A_68 = arith.constant 0 : index
    %swap3A_69 = tpu.vector_load %arg5[%swap3A_67, %swap3A_68] {strides = array<i32>} : memref<16x16xi32, #tpu.memory_space<vmem>>, vector<1x16xi32>,
    %swap3A_70 = vector.shape_cast %swap3A_69 : vector<1x16xi32> to vector<16xi32>
    %swap3A_71 = vector.shape_cast %scan3A_41#4 : vector<16xi32> to vector<1x16xi32>
    tpu.vector_store %arg5[%swap3A_67, %swap3A_68], %swap3A_71 {strides = array<i32>} : memref<16x16xi32, #tpu.memory_space<vmem>>, vector<1x16xi32>,
    %swap3A_72 = arith.constant 5 : i32
    %swap3A_73 = arith.index_cast %swap3A_72 : i32 to index
    %swap3A_74 = arith.constant 0 : index
    %swap3A_75 = tpu.vector_load %arg5[%swap3A_73, %swap3A_74] {strides = array<i32>} : memref<16x16xi32, #tpu.memory_space<vmem>>, vector<1x16xi32>,
    %swap3A_76 = vector.shape_cast %swap3A_75 : vector<1x16xi32> to vector<16xi32>
    %swap3A_77 = vector.shape_cast %scan3A_41#5 : vector<16xi32> to vector<1x16xi32>
    tpu.vector_store %arg5[%swap3A_73, %swap3A_74], %swap3A_77 {strides = array<i32>} : memref<16x16xi32, #tpu.memory_space<vmem>>, vector<1x16xi32>,
    %swap3A_78 = arith.constant 6 : i32
    %swap3A_79 = arith.index_cast %swap3A_78 : i32 to index
    %swap3A_80 = arith.constant 0 : index
    %swap3A_81 = tpu.vector_load %arg5[%swap3A_79, %swap3A_80] {strides = array<i32>} : memref<16x16xi32, #tpu.memory_space<vmem>>, vector<1x16xi32>,
    %swap3A_82 = vector.shape_cast %swap3A_81 : vector<1x16xi32> to vector<16xi32>
    %swap3A_83 = vector.shape_cast %scan3A_41#6 : vector<16xi32> to vector<1x16xi32>
    tpu.vector_store %arg5[%swap3A_79, %swap3A_80], %swap3A_83 {strides = array<i32>} : memref<16x16xi32, #tpu.memory_space<vmem>>, vector<1x16xi32>,
    %swap3A_84 = arith.constant 7 : i32
    %swap3A_85 = arith.index_cast %swap3A_84 : i32 to index
    %swap3A_86 = arith.constant 0 : index
    %swap3A_87 = tpu.vector_load %arg5[%swap3A_85, %swap3A_86] {strides = array<i32>} : memref<16x16xi32, #tpu.memory_space<vmem>>, vector<1x16xi32>,
    %swap3A_88 = vector.shape_cast %swap3A_87 : vector<1x16xi32> to vector<16xi32>
    %swap3A_89 = vector.shape_cast %scan3A_41#7 : vector<16xi32> to vector<1x16xi32>
    tpu.vector_store %arg5[%swap3A_85, %swap3A_86], %swap3A_89 {strides = array<i32>} : memref<16x16xi32, #tpu.memory_space<vmem>>, vector<1x16xi32>,
    %swap3A_90 = arith.constant 8 : i32
    %swap3A_91 = arith.index_cast %swap3A_90 : i32 to index
    %swap3A_92 = arith.constant 0 : index
    %swap3A_93 = tpu.vector_load %arg5[%swap3A_91, %swap3A_92] {strides = array<i32>} : memref<16x16xi32, #tpu.memory_space<vmem>>, vector<1x16xi32>,
    %swap3A_94 = vector.shape_cast %swap3A_93 : vector<1x16xi32> to vector<16xi32>
    %swap3A_95 = vector.shape_cast %scan3A_41#8 : vector<16xi32> to vector<1x16xi32>
    tpu.vector_store %arg5[%swap3A_91, %swap3A_92], %swap3A_95 {strides = array<i32>} : memref<16x16xi32, #tpu.memory_space<vmem>>, vector<1x16xi32>,
    %swap3A_96 = arith.constant 9 : i32
    %swap3A_97 = arith.index_cast %swap3A_96 : i32 to index
    %swap3A_98 = arith.constant 0 : index
    %swap3A_99 = tpu.vector_load %arg5[%swap3A_97, %swap3A_98] {strides = array<i32>} : memref<16x16xi32, #tpu.memory_space<vmem>>, vector<1x16xi32>,
    %swap3A_100 = vector.shape_cast %swap3A_99 : vector<1x16xi32> to vector<16xi32>
    %swap3A_101 = vector.shape_cast %scan3A_41#9 : vector<16xi32> to vector<1x16xi32>
    tpu.vector_store %arg5[%swap3A_97, %swap3A_98], %swap3A_101 {strides = array<i32>} : memref<16x16xi32, #tpu.memory_space<vmem>>, vector<1x16xi32>,
    %swap3A_102 = arith.constant 10 : i32
    %swap3A_103 = arith.index_cast %swap3A_102 : i32 to index
    %swap3A_104 = arith.constant 0 : index
    %swap3A_105 = tpu.vector_load %arg5[%swap3A_103, %swap3A_104] {strides = array<i32>} : memref<16x16xi32, #tpu.memory_space<vmem>>, vector<1x16xi32>,
    %swap3A_106 = vector.shape_cast %swap3A_105 : vector<1x16xi32> to vector<16xi32>
    %swap3A_107 = vector.shape_cast %scan3A_41#10 : vector<16xi32> to vector<1x16xi32>
    tpu.vector_store %arg5[%swap3A_103, %swap3A_104], %swap3A_107 {strides = array<i32>} : memref<16x16xi32, #tpu.memory_space<vmem>>, vector<1x16xi32>,
    %swap3A_108 = arith.constant 11 : i32
    %swap3A_109 = arith.index_cast %swap3A_108 : i32 to index
    %swap3A_110 = arith.constant 0 : index
    %swap3A_111 = tpu.vector_load %arg5[%swap3A_109, %swap3A_110] {strides = array<i32>} : memref<16x16xi32, #tpu.memory_space<vmem>>, vector<1x16xi32>,
    %swap3A_112 = vector.shape_cast %swap3A_111 : vector<1x16xi32> to vector<16xi32>
    %swap3A_113 = vector.shape_cast %scan3A_41#11 : vector<16xi32> to vector<1x16xi32>
    tpu.vector_store %arg5[%swap3A_109, %swap3A_110], %swap3A_113 {strides = array<i32>} : memref<16x16xi32, #tpu.memory_space<vmem>>, vector<1x16xi32>,
    %swap3A_114 = arith.constant 12 : i32
    %swap3A_115 = arith.index_cast %swap3A_114 : i32 to index
    %swap3A_116 = arith.constant 0 : index
    %swap3A_117 = tpu.vector_load %arg5[%swap3A_115, %swap3A_116] {strides = array<i32>} : memref<16x16xi32, #tpu.memory_space<vmem>>, vector<1x16xi32>,
    %swap3A_118 = vector.shape_cast %swap3A_117 : vector<1x16xi32> to vector<16xi32>
    %swap3A_119 = vector.shape_cast %scan3A_41#12 : vector<16xi32> to vector<1x16xi32>
    tpu.vector_store %arg5[%swap3A_115, %swap3A_116], %swap3A_119 {strides = array<i32>} : memref<16x16xi32, #tpu.memory_space<vmem>>, vector<1x16xi32>,
    %swap3A_120 = arith.constant 13 : i32
    %swap3A_121 = arith.index_cast %swap3A_120 : i32 to index
    %swap3A_122 = arith.constant 0 : index
    %swap3A_123 = tpu.vector_load %arg5[%swap3A_121, %swap3A_122] {strides = array<i32>} : memref<16x16xi32, #tpu.memory_space<vmem>>, vector<1x16xi32>,
    %swap3A_124 = vector.shape_cast %swap3A_123 : vector<1x16xi32> to vector<16xi32>
    %swap3A_125 = vector.shape_cast %scan3A_41#13 : vector<16xi32> to vector<1x16xi32>
    tpu.vector_store %arg5[%swap3A_121, %swap3A_122], %swap3A_125 {strides = array<i32>} : memref<16x16xi32, #tpu.memory_space<vmem>>, vector<1x16xi32>,
    %swap3A_126 = arith.constant 14 : i32
    %swap3A_127 = arith.index_cast %swap3A_126 : i32 to index
    %swap3A_128 = arith.constant 0 : index
    %swap3A_129 = tpu.vector_load %arg5[%swap3A_127, %swap3A_128] {strides = array<i32>} : memref<16x16xi32, #tpu.memory_space<vmem>>, vector<1x16xi32>,
    %swap3A_130 = vector.shape_cast %swap3A_129 : vector<1x16xi32> to vector<16xi32>
    %swap3A_131 = vector.shape_cast %scan3A_41#14 : vector<16xi32> to vector<1x16xi32>
    tpu.vector_store %arg5[%swap3A_127, %swap3A_128], %swap3A_131 {strides = array<i32>} : memref<16x16xi32, #tpu.memory_space<vmem>>, vector<1x16xi32>,
    %swap3A_132 = arith.constant 15 : i32
    %swap3A_133 = arith.index_cast %swap3A_132 : i32 to index
    %swap3A_134 = arith.constant 0 : index
    %swap3A_135 = tpu.vector_load %arg5[%swap3A_133, %swap3A_134] {strides = array<i32>} : memref<16x16xi32, #tpu.memory_space<vmem>>, vector<1x16xi32>,
    %swap3A_136 = vector.shape_cast %swap3A_135 : vector<1x16xi32> to vector<16xi32>
    %swap3A_137 = vector.shape_cast %scan3A_41#15 : vector<16xi32> to vector<1x16xi32>
    tpu.vector_store %arg5[%swap3A_133, %swap3A_134], %swap3A_137 {strides = array<i32>} : memref<16x16xi32, #tpu.memory_space<vmem>>, vector<1x16xi32>,
    "tpu.region"() ({
      %run_scoped3A = tpu.sem_alloc : memref<!tpu.dma_semaphore, #tpu.memory_space<semaphore_mem>>
      %dma_start3A = arith.constant 0 : i32
      %dma_start3A_138 = arith.constant 0 : i32
      %dma_start3A_139 = tpu.memref_slice %arg3[%add3A, %dma_start3A, %dma_start3A_138] : memref<32x16x16xi32, #tpu.memory_space<hbm>> -> memref<1x16x16xi32, #tpu.memory_space<hbm>>
      %dma_start3A_140 = tpu.memref_squeeze %dma_start3A_139 : memref<1x16x16xi32, #tpu.memory_space<hbm>> -> memref<16x16xi32, #tpu.memory_space<hbm>>
      %dma_start3A_141 = arith.constant 0 : i32
      %dma_start3A_142 = arith.constant 0 : i32
      %dma_start3A_143 = tpu.memref_slice %arg3[%add3A, %dma_start3A_141, %dma_start3A_142] : memref<32x16x16xi32, #tpu.memory_space<hbm>> -> memref<1x16x16xi32, #tpu.memory_space<hbm>>
      %dma_start3A_144 = tpu.memref_squeeze %dma_start3A_143 : memref<1x16x16xi32, #tpu.memory_space<hbm>> -> memref<16x16xi32, #tpu.memory_space<hbm>>
      tpu.enqueue_dma source(%arg5 : memref<16x16xi32, #tpu.memory_space<vmem>>) target(%dma_start3A_144 : memref<16x16xi32, #tpu.memory_space<hbm>>) target_semaphore(%run_scoped3A : memref<!tpu.dma_semaphore, #tpu.memory_space<semaphore_mem>>)
      %dma_wait3A = arith.constant 0 : i32
      %dma_wait3A_145 = arith.constant 0 : i32
      %dma_wait3A_146 = tpu.memref_slice %arg3[%add3A, %dma_wait3A, %dma_wait3A_145] : memref<32x16x16xi32, #tpu.memory_space<hbm>> -> memref<1x16x16xi32, #tpu.memory_space<hbm>>
      %dma_wait3A_147 = tpu.memref_squeeze %dma_wait3A_146 : memref<1x16x16xi32, #tpu.memory_space<hbm>> -> memref<16x16xi32, #tpu.memory_space<hbm>>
      %dma_wait3A_148 = arith.constant 0 : i32
      %dma_wait3A_149 = arith.constant 0 : i32
      %dma_wait3A_150 = tpu.memref_slice %arg3[%add3A, %dma_wait3A_148, %dma_wait3A_149] : memref<32x16x16xi32, #tpu.memory_space<hbm>> -> memref<1x16x16xi32, #tpu.memory_space<hbm>>
      %dma_wait3A_151 = tpu.memref_squeeze %dma_wait3A_150 : memref<1x16x16xi32, #tpu.memory_space<hbm>> -> memref<16x16xi32, #tpu.memory_space<hbm>>
      tpu.wait_dma2 semaphore(%run_scoped3A : memref<!tpu.dma_semaphore, #tpu.memory_space<semaphore_mem>>) src(%arg5 : memref<16x16xi32, #tpu.memory_space<vmem>>) dst(%dma_wait3A_151 : memref<16x16xi32, #tpu.memory_space<hbm>>)
      tpu.yield
    }) : () -> ()
    return
  }
}

module attributes {stable_mosaic.version = 14 : i64} {
  func.func @_stats_kernel(%arg0: i32, %arg1: memref<16000x128xf32, #tpu.memory_space<vmem>>, %arg2: memref<1x1x16000xi32, #tpu.memory_space<vmem>>, %arg3: memref<16x256xf32, #tpu.memory_space<vmem>>) attributes {dimension_semantics = [#tpu.dimension_semantics<arbitrary>], iteration_bounds = array<i64: 20>, scalar_prefetch = 0 : i64, scratch_operands = 0 : i64, tpu.core_type = #tpu.core_type<tc>, window_params = [{transform_indices = @transform_0, window_bounds = array<i64: 16000, 128>}, {transform_indices = @transform_1, window_bounds = array<i64: 1, 1, 16000>}, {pipeline_mode = #tpu.pipeline_mode<synchronous>, transform_indices = @transform_2, window_bounds = array<i64: 16, 256>}]} {
    %eq3A = arith.constant 0 : i32
    %eq3A_0 = arith.cmpi eq, %arg0, %eq3A : i32
    %convert_element_type3A = arith.extui %eq3A_0 : i1 to i32
    %cond3A = arith.constant 0 : i32
    %cond3A_1 = arith.cmpi ne, %convert_element_type3A, %cond3A : i32
    scf.if %cond3A_1 {
      %broadcast_in_dim3A_29 = arith.constant 0.000000e+00 : f32
      %broadcast_in_dim3A_30 = vector.broadcast %broadcast_in_dim3A_29 : f32 to vector<16x256xf32>
      %swap3A_31 = arith.constant 0 : index
      %swap3A_32 = arith.constant 0 : index
      %swap3A_33 = vector.load %arg3[%swap3A_31, %swap3A_32] : memref<16x256xf32, #tpu.memory_space<vmem>>, vector<16x256xf32>
      tpu.vector_store %arg3[%swap3A_31, %swap3A_32], %broadcast_in_dim3A_30 {strides = array<i32>} : memref<16x256xf32, #tpu.memory_space<vmem>>, vector<16x256xf32>,
    } else {
    }
    %get3A = arith.constant 0 : index
    %get3A_2 = arith.constant 0 : index
    %get3A_3 = vector.load %arg1[%get3A, %get3A_2] : memref<16000x128xf32, #tpu.memory_space<vmem>>, vector<16000x128xf32>
    %get3A_4 = arith.constant 0 : index
    %get3A_5 = arith.constant 0 : index
    %get3A_6 = arith.constant 0 : index
    %get3A_7 = vector.load %arg2[%get3A_4, %get3A_5, %get3A_6] : memref<1x1x16000xi32, #tpu.memory_space<vmem>>, vector<1x1x16000xi32>
    %get3A_8 = vector.shape_cast %get3A_7 : vector<1x1x16000xi32> to vector<16000xi32>
    %broadcast_in_dim3A = vector.shape_cast %get3A_8 : vector<16000xi32> to vector<1x16000xi32>
    %broadcast_in_dim3A_9 = vector.shape_cast %broadcast_in_dim3A : vector<1x16000xi32> to vector<1x16000xi32>
    %broadcast_in_dim3A_10 = vector.broadcast %broadcast_in_dim3A_9 : vector<1x16000xi32> to vector<16x16000xi32>
    %iota3A = tpu.iota {dimensions = array<i32: 0>} : vector<16x16000xi32>
    %eq3A_11 = arith.cmpi eq, %broadcast_in_dim3A_10, %iota3A : vector<16x16000xi32>
    %convert_element_type3A_12 = arith.extui %eq3A_11 : vector<16x16000xi1> to vector<16x16000xi32>
    %convert_element_type3A_13 = arith.sitofp %convert_element_type3A_12 : vector<16x16000xi32> to vector<16x16000xf32>
    %dot_general3A = arith.constant dense<0.000000e+00> : vector<16x128xf32>
    %dot_general3A_14 = tpu.matmul %convert_element_type3A_13, %get3A_3, %dot_general3A {dimension_numbers = #tpu.dot_dimension_numbers<[1], [0], [0], [1], [0, 0, 1, 1], [], []>, transpose_lhs_hint = false} : vector<16x16000xf32>, vector<16000x128xf32>, vector<16x128xf32> -> vector<16x128xf32>
    %mul3A = arith.mulf %get3A_3, %get3A_3 : vector<16000x128xf32>
    %dot_general3A_15 = arith.constant dense<0.000000e+00> : vector<16x128xf32>
    %dot_general3A_16 = tpu.matmul %convert_element_type3A_13, %mul3A, %dot_general3A_15 {dimension_numbers = #tpu.dot_dimension_numbers<[1], [0], [0], [1], [0, 0, 1, 1], [], []>, transpose_lhs_hint = false} : vector<16x16000xf32>, vector<16000x128xf32>, vector<16x128xf32> -> vector<16x128xf32>
    %get3A_17 = arith.constant 0 : index
    %get3A_18 = arith.constant 0 : index
    %get3A_19 = vector.load %arg3[%get3A_17, %get3A_18] : memref<16x256xf32, #tpu.memory_space<vmem>>, vector<16x128xf32>
    %add3A = arith.addf %get3A_19, %dot_general3A_14 : vector<16x128xf32>
    %swap3A = arith.constant 0 : index
    %swap3A_20 = arith.constant 0 : index
    %swap3A_21 = vector.load %arg3[%swap3A, %swap3A_20] : memref<16x256xf32, #tpu.memory_space<vmem>>, vector<16x128xf32>
    tpu.vector_store %arg3[%swap3A, %swap3A_20], %add3A {strides = array<i32>} : memref<16x256xf32, #tpu.memory_space<vmem>>, vector<16x128xf32>,
    %get3A_22 = arith.constant 0 : index
    %get3A_23 = arith.constant 128 : index
    %get3A_24 = vector.load %arg3[%get3A_22, %get3A_23] : memref<16x256xf32, #tpu.memory_space<vmem>>, vector<16x128xf32>
    %add3A_25 = arith.addf %get3A_24, %dot_general3A_16 : vector<16x128xf32>
    %swap3A_26 = arith.constant 0 : index
    %swap3A_27 = arith.constant 128 : index
    %swap3A_28 = vector.load %arg3[%swap3A_26, %swap3A_27] : memref<16x256xf32, #tpu.memory_space<vmem>>, vector<16x128xf32>
    tpu.vector_store %arg3[%swap3A_26, %swap3A_27], %add3A_25 {strides = array<i32>} : memref<16x256xf32, #tpu.memory_space<vmem>>, vector<16x128xf32>,
    return
  }
  func.func @transform_0(%arg0: i32) -> (i32, i32) {
    %c0_i32 = arith.constant 0 : i32
    %c0_i32_0 = arith.constant 0 : i32
    return %arg0, %c0_i32 : i32, i32
  }
  func.func @transform_1(%arg0: i32) -> (i32, i32, i32) {
    %c0_i32 = arith.constant 0 : i32
    %c0_i32_0 = arith.constant 0 : i32
    %c0_i32_1 = arith.constant 0 : i32
    return %arg0, %c0_i32, %c0_i32_0 : i32, i32, i32
  }
  func.func @transform_2(%arg0: i32) -> (i32, i32) {
    %c0_i32 = arith.constant 0 : i32
    %c0_i32_0 = arith.constant 0 : i32
    %c0_i32_1 = arith.constant 0 : i32
    return %c0_i32, %c0_i32_0 : i32, i32
  }
}

module attributes {stable_mosaic.version = 14 : i64} {
  func.func @_norm_kernel(%arg0: i32, %arg1: memref<16000x128xf32, #tpu.memory_space<vmem>>, %arg2: memref<1x1x16000xi32, #tpu.memory_space<vmem>>, %arg3: memref<16x256xf32, #tpu.memory_space<vmem>>, %arg4: memref<16x512xi32, #tpu.memory_space<vmem>>, %arg5: memref<1x128xf32, #tpu.memory_space<vmem>>, %arg6: memref<1x128xf32, #tpu.memory_space<vmem>>, %arg7: memref<16000x128xf32, #tpu.memory_space<vmem>>) attributes {dimension_semantics = [#tpu.dimension_semantics<arbitrary>], iteration_bounds = array<i64: 20>, scalar_prefetch = 0 : i64, scratch_operands = 0 : i64, tpu.core_type = #tpu.core_type<tc>, window_params = [{transform_indices = @transform_0, window_bounds = array<i64: 16000, 128>}, {transform_indices = @transform_1, window_bounds = array<i64: 1, 1, 16000>}, {pipeline_mode = #tpu.pipeline_mode<synchronous>, transform_indices = @transform_2, window_bounds = array<i64: 16, 256>}, {pipeline_mode = #tpu.pipeline_mode<synchronous>, transform_indices = @transform_3, window_bounds = array<i64: 16, 512>}, {pipeline_mode = #tpu.pipeline_mode<synchronous>, transform_indices = @transform_4, window_bounds = array<i64: 1, 128>}, {pipeline_mode = #tpu.pipeline_mode<synchronous>, transform_indices = @transform_5, window_bounds = array<i64: 1, 128>}, {transform_indices = @transform_6, window_bounds = array<i64: 16000, 128>}]} {
    %get3A = arith.constant 0 : index
    %get3A_0 = arith.constant 0 : index
    %get3A_1 = vector.load %arg4[%get3A, %get3A_0] : memref<16x512xi32, #tpu.memory_space<vmem>>, vector<16x512xi32>
    %convert_element_type3A = arith.sitofp %get3A_1 : vector<16x512xi32> to vector<16x512xf32>
    %reduce_sum3A = arith.constant dense<0.000000e+00> : vector<16xf32>
    %reduce_sum3A_2 = vector.multi_reduction <add>, %convert_element_type3A, %reduce_sum3A [1] : vector<16x512xf32> to vector<16xf32>
    %max3A = arith.constant 1.000000e+00 : f32
    %max3A_3 = vector.broadcast %max3A : f32 to vector<16xf32>
    %max3A_4 = arith.maximumf %reduce_sum3A_2, %max3A_3 : vector<16xf32>
    %broadcast_in_dim3A = vector.shape_cast %max3A_4 : vector<16xf32> to vector<16x1xf32>
    %div3A = arith.constant 1.000000e+00 : f32
    %div3A_5 = vector.broadcast %div3A : f32 to vector<16x1xf32>
    %div3A_6 = arith.divf %div3A_5, %broadcast_in_dim3A : vector<16x1xf32>
    %get3A_7 = arith.constant 0 : index
    %get3A_8 = arith.constant 0 : index
    %get3A_9 = vector.load %arg3[%get3A_7, %get3A_8] : memref<16x256xf32, #tpu.memory_space<vmem>>, vector<16x128xf32>
    %mul3A = vector.broadcast %div3A_6 : vector<16x1xf32> to vector<16x128xf32>
    %mul3A_10 = arith.mulf %get3A_9, %mul3A : vector<16x128xf32>
    %get3A_11 = arith.constant 0 : index
    %get3A_12 = arith.constant 128 : index
    %get3A_13 = vector.load %arg3[%get3A_11, %get3A_12] : memref<16x256xf32, #tpu.memory_space<vmem>>, vector<16x128xf32>
    %mul3A_14 = vector.broadcast %div3A_6 : vector<16x1xf32> to vector<16x128xf32>
    %mul3A_15 = arith.mulf %get3A_13, %mul3A_14 : vector<16x128xf32>
    %mul3A_16 = arith.mulf %mul3A_10, %mul3A_10 : vector<16x128xf32>
    %sub3A = arith.subf %mul3A_15, %mul3A_16 : vector<16x128xf32>
    %add3A = arith.constant 9.99999997E-7 : f32
    %add3A_17 = vector.broadcast %add3A : f32 to vector<16x128xf32>
    %add3A_18 = arith.addf %sub3A, %add3A_17 : vector<16x128xf32>
    %rsqrt3A = math.rsqrt %add3A_18 : vector<16x128xf32>
    %get3A_19 = arith.constant 0 : index
    %get3A_20 = arith.constant 0 : index
    %get3A_21 = vector.load %arg5[%get3A_19, %get3A_20] : memref<1x128xf32, #tpu.memory_space<vmem>>, vector<1x128xf32>
    %mul3A_22 = vector.broadcast %get3A_21 : vector<1x128xf32> to vector<16x128xf32>
    %mul3A_23 = arith.mulf %rsqrt3A, %mul3A_22 : vector<16x128xf32>
    %get3A_24 = arith.constant 0 : index
    %get3A_25 = arith.constant 0 : index
    %get3A_26 = vector.load %arg6[%get3A_24, %get3A_25] : memref<1x128xf32, #tpu.memory_space<vmem>>, vector<1x128xf32>
    %mul3A_27 = arith.mulf %mul3A_10, %mul3A_23 : vector<16x128xf32>
    %sub3A_28 = vector.broadcast %get3A_26 : vector<1x128xf32> to vector<16x128xf32>
    %sub3A_29 = arith.subf %sub3A_28, %mul3A_27 : vector<16x128xf32>
    %concatenate3A = tpu.concatenate %mul3A_23, %sub3A_29 in 1 : vector<16x128xf32>, vector<16x128xf32> -> vector<16x256xf32>
    %get3A_30 = arith.constant 0 : index
    %get3A_31 = arith.constant 0 : index
    %get3A_32 = arith.constant 0 : index
    %get3A_33 = vector.load %arg2[%get3A_30, %get3A_31, %get3A_32] : memref<1x1x16000xi32, #tpu.memory_space<vmem>>, vector<1x1x16000xi32>
    %get3A_34 = vector.shape_cast %get3A_33 : vector<1x1x16000xi32> to vector<16000xi32>
    %broadcast_in_dim3A_35 = vector.shape_cast %get3A_34 : vector<16000xi32> to vector<1x16000xi32>
    %broadcast_in_dim3A_36 = vector.shape_cast %broadcast_in_dim3A_35 : vector<1x16000xi32> to vector<1x16000xi32>
    %broadcast_in_dim3A_37 = vector.broadcast %broadcast_in_dim3A_36 : vector<1x16000xi32> to vector<16x16000xi32>
    %iota3A = tpu.iota {dimensions = array<i32: 0>} : vector<16x16000xi32>
    %eq3A = arith.cmpi eq, %broadcast_in_dim3A_37, %iota3A : vector<16x16000xi32>
    %convert_element_type3A_38 = arith.extui %eq3A : vector<16x16000xi1> to vector<16x16000xi32>
    %convert_element_type3A_39 = arith.sitofp %convert_element_type3A_38 : vector<16x16000xi32> to vector<16x16000xf32>
    %dot_general3A = arith.constant dense<0.000000e+00> : vector<16000x256xf32>
    %dot_general3A_40 = tpu.matmul %convert_element_type3A_39, %concatenate3A, %dot_general3A {dimension_numbers = #tpu.dot_dimension_numbers<[0], [0], [1], [1], [0, 1, 1, 1], [], []>, transpose_lhs_hint = false} : vector<16x16000xf32>, vector<16x256xf32>, vector<16000x256xf32> -> vector<16000x256xf32>
    %get3A_41 = arith.constant 0 : index
    %get3A_42 = arith.constant 0 : index
    %get3A_43 = vector.load %arg1[%get3A_41, %get3A_42] : memref<16000x128xf32, #tpu.memory_space<vmem>>, vector<16000x128xf32>
    %slice3A = vector.extract_strided_slice %dot_general3A_40 {offsets = [0, 0], sizes = [16000, 128], strides = [1, 1]} : vector<16000x256xf32> to vector<16000x128xf32>
    %mul3A_44 = arith.mulf %get3A_43, %slice3A : vector<16000x128xf32>
    %slice3A_45 = vector.extract_strided_slice %dot_general3A_40 {offsets = [0, 128], sizes = [16000, 128], strides = [1, 1]} : vector<16000x256xf32> to vector<16000x128xf32>
    %add3A_46 = arith.addf %mul3A_44, %slice3A_45 : vector<16000x128xf32>
    %swap3A = arith.constant 0 : index
    %swap3A_47 = arith.constant 0 : index
    %swap3A_48 = vector.load %arg7[%swap3A, %swap3A_47] : memref<16000x128xf32, #tpu.memory_space<vmem>>, vector<16000x128xf32>
    tpu.vector_store %arg7[%swap3A, %swap3A_47], %add3A_46 {strides = array<i32>} : memref<16000x128xf32, #tpu.memory_space<vmem>>, vector<16000x128xf32>,
    return
  }
  func.func @transform_0(%arg0: i32) -> (i32, i32) {
    %c0_i32 = arith.constant 0 : i32
    %c0_i32_0 = arith.constant 0 : i32
    return %arg0, %c0_i32 : i32, i32
  }
  func.func @transform_1(%arg0: i32) -> (i32, i32, i32) {
    %c0_i32 = arith.constant 0 : i32
    %c0_i32_0 = arith.constant 0 : i32
    %c0_i32_1 = arith.constant 0 : i32
    return %arg0, %c0_i32, %c0_i32_0 : i32, i32, i32
  }
  func.func @transform_2(%arg0: i32) -> (i32, i32) {
    %c0_i32 = arith.constant 0 : i32
    %c0_i32_0 = arith.constant 0 : i32
    %c0_i32_1 = arith.constant 0 : i32
    return %c0_i32, %c0_i32_0 : i32, i32
  }
  func.func @transform_3(%arg0: i32) -> (i32, i32) {
    %c0_i32 = arith.constant 0 : i32
    %c0_i32_0 = arith.constant 0 : i32
    %c0_i32_1 = arith.constant 0 : i32
    return %c0_i32, %c0_i32_0 : i32, i32
  }
  func.func @transform_4(%arg0: i32) -> (i32, i32) {
    %c0_i32 = arith.constant 0 : i32
    %c0_i32_0 = arith.constant 0 : i32
    %c0_i32_1 = arith.constant 0 : i32
    return %c0_i32, %c0_i32_0 : i32, i32
  }
  func.func @transform_5(%arg0: i32) -> (i32, i32) {
    %c0_i32 = arith.constant 0 : i32
    %c0_i32_0 = arith.constant 0 : i32
    %c0_i32_1 = arith.constant 0 : i32
    return %c0_i32, %c0_i32_0 : i32, i32
  }
  func.func @transform_6(%arg0: i32) -> (i32, i32) {
    %c0_i32 = arith.constant 0 : i32
    %c0_i32_0 = arith.constant 0 : i32
    return %arg0, %c0_i32 : i32, i32
  }
}

</mosaic_0001>

<sc_bundles>
// kernel: kernel.5.cloned.1.call-start
scs
__scs_entry_jumppad:
0x0: {  	(pc) =	sbr.rel $0x88, $3  }
0x1: {  	(tag) =	ssettag $0x0;
	lr =	simm.s32 $0x1  }
0x2: {  	[smem:$0x3F9D] =	sst lr;
	_ =	strace $0xD0000000  }
0x3: {  	_ = 	snop  }
0x4: {  	_ = 	snop  }
0x5: {  	_ = 	snop  }
0x6: {  	_ = 	snop  }
0x7: {  	_ = 	snop  }
__scs_overlays_trampoline_lowered:
0x8: {  	[smem:$0x3FAC] =	sst s0  }
0x9: {  	[smem:$0x3FAD] =	sst s1  }
0xa: {  	[smem:$0x3FAE] =	sst s2  }
0xb: {  	[smem:$0x3FAF] =	sst s3  }
0xc: {  	[smem:$0x3FB0] =	sst s4  }
0xd: {  	[smem:$0x3FB1] =	sst s5  }
0xe: {  	[smem:$0x3FB2] =	sst s6  }
0xf: {  	[smem:$0x3FB3] =	sst s7  }
0x10: {  	[smem:$0x3FB4] =	sst s8  }
0x11: {  	[smem:$0x3FB5] =	sst s9;
	s0 =	simm.s32 @!p0 $0x0  }
0x12: {  	s1 =	sld [smem:$0x3F9B];
	s0 =	simm.s32 @p0 $0x1  }
0x13: {  	[smem:$0x3FB6] =	sst s0;
	s0 =	simm.s32 @!p1 $0x0  }
0x14: {  	s2 =	sld [smem:$0x3F9A];
	s0 =	simm.s32 @p1 $0x1  }
0x15: {  	[smem:$0x3FB7] =	sst s0;
	s0 =	simm.s32 @!p2 $0x0  }
0x16: {  	s3 =	sld [smem:$0x3FDB];
	s0 =	simm.s32 @p2 $0x1  }
0x17: {  	s4 =	simm.s32 $0x1BF5;
	[smem:$0x3FB9] =	sst s0  }
0x18: {  	s0 =	sld [smem:$0x3F9C];
	_ =	swait.ge [sflag:s4], $0x0  }
0x19: {  	s7 =	sld [smem:$0x3F9D]  }
0x1a: {  	s8 =	sadd.s32 $0xFFFFE003, lr  }
0x1b: {  	s9 =	sadd.s32 $0xFFFFFEF7, lr;
	s5 =	simm.s32 $0xFFFFFFFF;
	p2 =	slt.u32 s8, $0xFFFFF086  }
0x1c: {  	p1 =	slt.u32 s9, $0xF7A;
	s5 =	simm.s32 @!p2 $0x0  }
0x1d: {  	s5 =	simm.s32 @p1 $0x1;
	p0 =	seq.s32 s7, s2  }
0x1e: {  	s7 =	smul.u32 @!p0 $0xF7A, s2;
	p2 =	seq.s32 @!p0 s5, $0x0  }
0x1f: {  	s9 =	smul.u32 $0xF7A, s1;
	s8 =	simm.s32 @!p0 $0x1BF5;
	p2 =	por !p2, p0  }
0x20: {  	[sflag:s8] =	ssyncset.s32 @!p0 $0xFFFFF086;
	s6 =	sadd.s32 @!p0 s3, s7;
	s7 =	simm.s32 @!p0 $0x108  }
0x21: {  	s3 =	sadd.s32 s3, s9;
	s6 =	sadd.s32 @!p0 $0x88, s6;
	s7 =	simm.s32 @p2 $0x1082  }
0x22: {  	[simem:s7], [sflag:s8] =	dma.local @!p0 [hbm:s6], $0xF7A  }
0x23: {  	s9 =	sor.u32 $0xD0000000, s2;
	s6 =	simm.s32 $0x108;
	_ =	swait.ge @!p0 [sflag:s8], $0x0  }
0x24: {  	s3 =	sadd.s32 $0x88, s3;
	s6 =	simm.s32 @!p1 $0x1082;
	[sflag:s4] =	ssyncset.s32 $0xFFFFF086  }
0x25: {  	[simem:s6], [sflag:s4] =	dma.local [hbm:s3], $0xF7A  }
0x26: {  	[smem:$0x3F9D] =	sst s1;
	(tag) =	ssettag s2;
	_ =	strace s9  }
0x27: {  	s1 =	sld [smem:$0x3FAD]  }
0x28: {  	s2 =	sld [smem:$0x3FAE]  }
0x29: {  	s4 =	sld [smem:$0x3FB0]  }
0x2a: {  	p0 =	seq.s32 s5, $0x0;
	s5 =	sld [smem:$0x3FB1]  }
0x2b: {  	s6 =	sld [smem:$0x3FB2]  }
0x2c: {  	s7 =	sld [smem:$0x3FB3]  }
0x2d: {  	s3 =	simm.s32 $0x108;
	s8 =	sld [smem:$0x3FB4]  }
0x2e: {  	s3 =	simm.s32 @!p0 $0x1082;
	s9 =	sld [smem:$0x3FB5]  }
0x2f: {  	lr =	sadd.s32 s0, s3;
	s0 =	sld [smem:$0x3FAC]  }
0x30: {  	s3 =	sld [smem:$0x3FAF]  }
0x31: {  	[smem:$0x3FB8] =	sst s10  }
0x32: {  	s10 =	sld [smem:$0x3FB6];
	_ =	sdelay $0x3  }
0x33: {  	p0 =	seq.s32 s10, $0x1;
	s10 =	sld [smem:$0x3FB8];
	_ =	sdelay $0x3  }
0x34: {  	[smem:$0x3FB8] =	sst s10  }
0x35: {  	s10 =	sld [smem:$0x3FB7];
	_ =	sdelay $0x3  }
0x36: {  	p1 =	seq.s32 s10, $0x1;
	s10 =	sld [smem:$0x3FB8];
	_ =	sdelay $0x3  }
0x37: {  	[smem:$0x3FB8] =	sst s10  }
0x38: {  	s10 =	sld [smem:$0x3FB9]  }
0x39: {  	_ = 	snop;
	(pc) =	sbr.ind lr, $3  }
0x3a: {  	_ = 	snop  }
0x3b: {  	_ = 	snop  }
0x3c: {  	p2 =	seq.s32 s10, $0x1;
	s10 =	sld [smem:$0x3FB8]  }
0x3d: {  	_ =	shalt  }
0x3e: {  	_ =	shalt  }
0x3f: {  	_ =	shalt  }
0x40: {  	_ =	shalt  }
0x41: {  	_ =	shalt  }
0x42: {  	_ =	shalt  }
0x43: {  	_ =	shalt  }
0x44: {  	_ =	shalt  }
0x45: {  	_ =	shalt  }
0x46: {  	_ =	shalt  }
0x47: {  	_ =	shalt  }
0x48: {  	_ =	shalt  }
0x49: {  	_ =	shalt  }
0x4a: {  	_ =	shalt  }
0x4b: {  	_ =	shalt  }
0x4c: {  	_ =	shalt  }
0x4d: {  	_ =	shalt  }
0x4e: {  	_ =	shalt  }
0x4f: {  	_ =	shalt  }
0x50: {  	_ =	shalt  }
0x51: {  	_ =	shalt  }
0x52: {  	_ =	shalt  }
0x53: {  	_ =	shalt  }
0x54: {  	_ =	shalt  }
0x55: {  	_ =	shalt  }
0x56: {  	_ =	shalt  }
0x57: {  	_ =	shalt  }
0x58: {  	_ =	shalt  }
0x59: {  	_ =	shalt  }
0x5a: {  	_ =	shalt  }
0x5b: {  	_ =	shalt  }
0x5c: {  	_ =	shalt  }
0x5d: {  	_ =	shalt  }
0x5e: {  	_ =	shalt  }
0x5f: {  	_ =	shalt  }
0x60: {  	_ =	shalt  }
0x61: {  	_ =	shalt  }
0x62: {  	_ =	shalt  }
0x63: {  	_ =	shalt  }
0x64: {  	_ =	shalt  }
0x65: {  	_ =	shalt  }
0x66: {  	_ =	shalt  }
0x67: {  	_ =	shalt  }
0x68: {  	_ =	shalt  }
0x69: {  	_ =	shalt  }
0x6a: {  	_ =	shalt  }
0x6b: {  	_ =	shalt  }
0x6c: {  	_ =	shalt  }
0x6d: {  	_ =	shalt  }
0x6e: {  	_ =	shalt  }
0x6f: {  	_ =	shalt  }
0x70: {  	_ =	shalt  }
0x71: {  	_ =	shalt  }
0x72: {  	_ =	shalt  }
0x73: {  	_ =	shalt  }
0x74: {  	_ =	shalt  }
0x75: {  	_ =	shalt  }
0x76: {  	_ =	shalt  }
0x77: {  	_ =	shalt  }
0x78: {  	_ =	shalt  }
0x79: {  	_ =	shalt  }
0x7a: {  	_ =	shalt  }
0x7b: {  	_ =	shalt  }
0x7c: {  	_ =	shalt  }
0x7d: {  	_ =	shalt  }
0x7e: {  	_ =	shalt  }
0x7f: {  	_ =	shalt  }
0x80: {  	_ =	shalt  }
0x81: {  	_ =	shalt  }
0x82: {  	_ =	shalt  }
0x83: {  	_ =	shalt  }
0x84: {  	_ =	shalt  }
0x85: {  	_ =	shalt  }
0x86: {  	_ =	shalt  }
0x87: {  	_ =	shalt  }
.Lfunc_end0:
.L_simem_size_0:
called_computation_lowered:
.L_overlay_start_0:
0x88: {  	s2 =	sld [smem:$0x3FD9]  }
0x89: {  	s3 =	sld [smem:$0x3FFE];
	_ =	sdelay $0x1  }
0x8a: {  	s1 =	srdreg.scid  }
0x8b: {  	s0 =	sand.u32 $0x1, s1  }
0x8c: {  	s18 =	sshll.u32 s0, $0xA;
	s2 =	sadd.s32 s3, s2  }
0x8d: {  	s2 =	sadd.s32 s2, s18  }
0x8e: {  	[smem:$0x3FC4] =	sst s2  }
0x8f: {  	_ = 	snop  }
0x90: {  	s2 =	sld [smem:$0x3FC8]  }
0x91: {  	s19 =	sld [smem:$0x3FD0];
	(tm) =	ssettm $0x1  }
0x92: {  	s4 =	sld [smem:$0x3FFB];
	_ =	sdelay $0x3  }
0x93: {  	_ =	strace s4  }
0x94: {  	s4 =	sld [smem:$0x3FFC];
	_ =	sdelay $0x3  }
0x95: {  	_ =	strace s4  }
0x96: {  	s4 =	sld [smem:$0x3FFD];
	_ =	sdelay $0x3  }
0x97: {  	_ =	strace s4  }
0x98: {  	_ =	strace $0x8FFFFFFF  }
0x99: {  	s20 =	sld [smem:$0x3FDB];
	_ =	sdelay $0x1  }
0x9a: {  	s5 =	simm.s32 $_scs_section_size  }
0x9b: {  	s6 =	simm.s32 $_size__tile_overlayer_lowered;
	s7 =	simm.s32 $_tile_overlayer_lowered  }
0x9c: {  	s23 =	simm.s32 $0x1BFF;
	s22 =	sshll.u32 s7, $0x1;
	s4 =	sadd.s32 s5, s20  }
0x9d: {  	s8 =	simm.s32 $0x0;
	s21 =	sshll.u32 s6, $0x1;
	s6 =	sadd.s32 s22, s4  }
0x9e: {  	[timem:s8], [sflag:s23] =	dma.local [hbm:s6], s21  }
0x9f: {  	_ =	swait.ge [sflag:s23], s21  }
0xa0: {  	s5 =	ssub.s32 $0x0, s21;
	[sflag:s23] =	ssyncset.done $0x0  }
0xa1: {  	[sflag:s23] =	ssyncadd.s32 s5;
	_ =	sdelay $0x1  }
0xa2: {  	s24 =	simm.s32 $0x1B8B  }
0xa3: {  	_ =	swait.ge [sflag:s24], $0x1  }
0xa4: {  	[sflag:s24] =	ssyncset.done $0x0  }
0xa5: {  	s25 =	simm.s32 $0x1B8E;
	[sflag:s24] =	ssyncadd.s32 $0xFFFFFFFF  }
0xa6: {  	s26 =	simm.s32 $execute0_lowered;
	[smem:$0x3FD2] =	sst s25  }
0xa7: {  	s5 =	sshll.u32 s26, $0x1;
	_ =	strace $0x80000046;
	[dreg:$0x1] =	wrdreg $0xFFFFFFFF  }
0xa8: {  	s28 =	simm.s32 $_size_execute0_lowered;
	s4 =	sadd.s32 s4, s5;
	[dreg:$0x0] =	wrdreg $0x0  }
0xa9: {  	s5 =	sshll.u32 s28, $0x1;
	[dreg:$0x2] =	wrdreg s4  }
0xaa: {  	[dreg:$0x3] =	wrdreg s5  }
0xab: {  	[dreg:$0x4] =	wrdreg $0xC0  }
0xac: {  	_ =	task [dreg:s8], $0x5FFFF  }
0xad: {  	[dreg:$0x1] =	wrdreg $0xFFFFFFFF  }
0xae: {  	[dreg:$0x0] =	wrdreg $0x60  }
0xaf: {  	[dreg:$0x2] =	wrdreg s2  }
0xb0: {  	[dreg:$0x3] =	wrdreg s19  }
0xb1: {  	[dreg:$0x4] =	wrdreg $0x9  }
0xb2: {  	_ =	task.clear_ibuf [dreg:s8], $0x5FFFF;
	_ =	strace $0x90000046  }
0xb3: {  	s29 =	simm.s32 $0x9;
	_ =	strace $0x80000048  }
0xb4: {  	_ =	swait.ge [sflag:s29], $0x1  }
0xb5: {  	[sflag:s29] =	ssyncadd.s32 $0xFFFFFFFF  }
0xb6: {  	_ =	strace $0x90000048  }
0xb7: {  	_ =	sfence  }
0xb8: {  	s30 =	sld [smem:$0x0];
	_ =	sdelay $0x2  }
0xb9: {  	s31 =	sshll.u32 s1, $0xD;
	s1 =	sshrl.u32 s1, $0x2  }
0xba: {  	s3 =	sand.u32 $0x4000, s31;
	s1 =	sadd.s32 s1, s30  }
0xbb: {  	s0 =	sor.u32 s3, s0;
	s1 =	sshll.u32 s1, $0x11  }
0xbc: {  	s0 =	sor.u32 s1, s0  }
0xbd: {  	s0 =	sadd.s32 $0x8F2B, s0  }
0xbe: {  	[sflag:s0] =	ssyncadd.remote.s32 $0x1  }
0xbf: {  	_ =	sfence.sel $0xFFFF  }
0xc0: {  	[dreg:$0x0] =	wrdreg $0xFFFFFFFF;
	(pc) =	sbr.abs _section_cstart, $3  }
0xc1: {  	[dreg:$0x1] =	wrdreg $0xFFFFFFFF  }
0xc2: {  	_ =	task.clear_ibuf [dreg:s8], $0x2FFFF;
	_ =	strace $0x9FFFFFFF  }
0xc3: {  	(tm) =	ssettm $0x7FFFFFFF  }
tec
execute0_lowered:
.L_overlay_start_1:
0x0: {  	(tag) =	ssettag $0x1  }
0x1: {  	s3 =	rddreg [dreg:$0x0]  }
0x2: {  	s4 =	rddreg [dreg:$0x1]  }
0x3: {  	s2 =	srdreg.scid;
	s1 =	stileid.u32  }
0x4: {  	s0 =	rddreg [dreg:$0x2];
	s5 =	sand.u32 $0x1, s2;
	s6 =	sshll.u32 s1, $0x1  }
0x5: {  	s2 =	simm.s32 $0x0;
	s7 =	ssub.s32 $0x2, s5;
	s5 =	sor.u32 s5, s6  }
0x6: {  	[smem:$0x7FF] =	sst s2;
	s31 =	sshrl.u32 s7, $0x1;
	s8 =	smul.u32 $0x4E2, s5  }
0x7: {  	_ =	strace $0x80000047;
	s5 =	sshll.u32 s5, $0x8;
	s6 =	ssub.s32 s7, s31  }
0x8: {  	s4 =	sadd.s32 s4, s5;
	s7 =	simm.s32 $0x2780;
	s3 =	sadd.s32 s3, s8  }
0x9: {  	v0 =	vimm.s32 $0x0;
	s5 =	smax.u32 s6, $0x1;
	s6 =	simm.s32 $0x1;
	s8 =	simm.s32 $0x0  }
.LBB2_1:
0xa: {  	[tilespmem:s2], [sflag:$0x1] =	stream.linear.gather [hbm4b:s3+s2], $0x2710, $0x38;
	[tilespmem:$0x2F80] =	vst v63  }
0xb: {  	_ =	swait.ge [sflag:s6], $0x2710  }
0xc: {  	[sflag:s6] =	ssyncset.done $0x0  }
0xd: {  	s9 =	simm.s32 $0x0;
	[sflag:s6] =	ssyncadd.s32 $0xFFFFD8F0  }
0xe: {  	v2 =	vld [tilespmem:s9+$0x0]  }
0xf: {  	v3 =	vimm.s32 $0x0;
	v4 =	vimm.s32 $0x0;
	v5 =	vimm.s32 $0x0  }
0x10: {  	v6 =	vimm.s32 $0x0;
	v7 =	vimm.s32 $0x0;
	v8 =	vimm.s32 $0x0  }
0x11: {  	v9 =	vimm.s32 $0x0;
	v10 =	vimm.s32 $0x0;
	v11 =	vimm.s32 $0x0  }
0x12: {  	v12 =	vimm.s32 $0x0;
	v13 =	vimm.s32 $0x0;
	v15 =	vimm.s32 $0x0  }
0x13: {  	v16 =	vimm.s32 $0x0;
	v14 =	vimm.s32 $0x0;
	vm0 =	veq.s32 v2, $0x0  }
0x14: {  	vm1 =	veq.s32 v2, $0x1;
	vm2 =	veq.s32 v2, $0xF;
	vm3 =	veq.s32 v2, $0x2  }
0x15: {  	vm4 =	veq.s32 v2, $0x3;
	vm5 =	veq.s32 v2, $0x5;
	vm6 =	veq.s32 v2, $0x6  }
0x16: {  	vm7 =	veq.s32 v2, $0x7;
	vm8 =	veq.s32 v2, $0x8;
	vm9 =	veq.s32 v2, $0x9  }
0x17: {  	vm10 =	veq.s32 v2, $0xA;
	vm11 =	veq.s32 v2, $0xB;
	vm12 =	veq.s32 v2, $0xC  }
0x18: {  	vm13 =	veq.s32 v2, $0xD;
	vm14 =	veq.s32 v2, $0xE;
	v1 =	vsel vm2, $0x1, v0  }
0x19: {  	vm2 =	veq.s32 v2, $0x4;
	v17 =	vsel vm0, $0x1, v0;
	v18 =	vsel vm1, $0x1, v0  }
0x1a: {  	v19 =	vsel vm3, $0x1, v0;
	v20 =	vsel vm4, $0x1, v0;
	v22 =	vsel vm5, $0x1, v0  }
0x1b: {  	v23 =	vsel vm6, $0x1, v0;
	v24 =	vsel vm7, $0x1, v0;
	v25 =	vsel vm8, $0x1, v0  }
0x1c: {  	v26 =	vsel vm9, $0x1, v0;
	v27 =	vsel vm10, $0x1, v0;
	v28 =	vsel vm11, $0x1, v0  }
0x1d: {  	v30 =	vsel vm12, $0x1, v0;
	v31 =	vsel vm13, $0x1, v0;
	v29 =	vsel vm14, $0x1, v0  }
0x1e: {  	s10 =	simm.s32 $0x10;
	s9 =	simm.s32 $0x80;
	v2 =	vimm.s32 $0x0;
	v1 =	vadd.s32 v1, v0;
	v21 =	vsel vm2, $0x1, v0  }
.LBB2_2:
0x1f: {  	p0 =	sne.s32 s9, $0x9C00;
	v32 =	vld [tilespmem:s10+$0x0];
	v2 =	vadd.s32 v17, v2;
	v3 =	vadd.s32 v18, v3;
	v4 =	vadd.s32 v19, v4  }
0x20: {  	v5 =	vadd.s32 v20, v5;
	v6 =	vadd.s32 v21, v6;
	v7 =	vadd.s32 v22, v7  }
0x21: {  	v8 =	vadd.s32 v23, v8;
	v9 =	vadd.s32 v24, v9;
	v10 =	vadd.s32 v25, v10  }
0x22: {  	v11 =	vadd.s32 v26, v11;
	v12 =	vadd.s32 v27, v12;
	v13 =	vadd.s32 v28, v13  }
0x23: {  	v15 =	vadd.s32 v30, v15;
	v16 =	vadd.s32 v31, v16;
	v14 =	vadd.s32 v29, v14  }
0x24: {  	vm0 =	veq.s32 v32, $0x0;
	vm1 =	veq.s32 v32, $0x1;
	vm2 =	veq.s32 v32, $0xF  }
0x25: {  	vm3 =	veq.s32 v32, $0x2;
	vm4 =	veq.s32 v32, $0x3;
	v17 =	vsel vm2, $0x1, v0  }
0x26: {  	vm5 =	veq.s32 v32, $0x5;
	vm2 =	veq.s32 v32, $0x4;
	v1 =	vadd.s32 v17, v1  }
0x27: {  	vm6 =	veq.s32 v32, $0x6;
	vm7 =	veq.s32 v32, $0x7;
	vm8 =	veq.s32 v32, $0x8  }
0x28: {  	vm9 =	veq.s32 v32, $0x9;
	vm10 =	veq.s32 v32, $0xA;
	vm11 =	veq.s32 v32, $0xB  }
0x29: {  	vm12 =	veq.s32 v32, $0xC;
	vm13 =	veq.s32 v32, $0xD;
	vm14 =	veq.s32 v32, $0xE  }
.Ltmp0:
0x2a: {  	v18 =	vsel vm1, $0x1, v0;
	v19 =	vsel vm3, $0x1, v0;
	v17 =	vsel vm0, $0x1, v0;
	(pc) =	sbr.rel @p0 .LBB2_2-.Ltmp0, $4  }
0x2b: {  	v20 =	vsel vm4, $0x1, v0;
	v22 =	vsel vm5, $0x1, v0;
	v21 =	vsel vm2, $0x1, v0  }
0x2c: {  	v23 =	vsel vm6, $0x1, v0;
	v24 =	vsel vm7, $0x1, v0;
	v25 =	vsel vm8, $0x1, v0  }
0x2d: {  	v26 =	vsel vm9, $0x1, v0;
	v27 =	vsel vm10, $0x1, v0;
	v28 =	vsel vm11, $0x1, v0  }
0x2e: {  	s10 =	sshra.s32 s9, $0x2;
	s9 =	sadd.s32 $0x40, s9;
	v30 =	vsel vm12, $0x1, v0;
	v31 =	vsel vm13, $0x1, v0;
	v29 =	vsel vm14, $0x1, v0  }
0x2f: {  	v32 =	vld [tilespmem:s10+$0x0]  }
0x30: {  	v2 =	vadd.s32 v17, v2;
	v3 =	vadd.s32 v18, v3;
	v4 =	vadd.s32 v19, v4  }
0x31: {  	v5 =	vadd.s32 v20, v5;
	v6 =	vadd.s32 v21, v6;
	v7 =	vadd.s32 v22, v7  }
0x32: {  	v8 =	vadd.s32 v23, v8;
	v9 =	vadd.s32 v24, v9;
	v10 =	vadd.s32 v25, v10  }
0x33: {  	v11 =	vadd.s32 v26, v11;
	v12 =	vadd.s32 v27, v12;
	v13 =	vadd.s32 v28, v13  }
0x34: {  	v15 =	vadd.s32 v30, v15;
	v16 =	vadd.s32 v31, v16;
	vm0 =	veq.s32 v32, $0x0  }
0x35: {  	v14 =	vadd.s32 v29, v14;
	vm1 =	veq.s32 v32, $0x1;
	v57 =	vsel vm0, $0x1, v0  }
0x36: {  	vm14 =	veq.s32 v32, $0x2;
	v58 =	vsel vm1, $0x1, v0;
	v2 =	vadd.s32 v57, v2  }
0x37: {  	vm5 =	veq.s32 v32, $0x5;
	v59 =	vsel vm14, $0x1, v0;
	v3 =	vadd.s32 v58, v3;
	[tilespmem:$0x2780] =	vst v2  }
0x38: {  	vm15 =	veq.s32 v32, $0x3;
	v60 =	vsel vm5, $0x1, v0;
	v4 =	vadd.s32 v59, v4;
	[tilespmem:$0x2800] =	vst v3  }
0x39: {  	vm4 =	veq.s32 v32, $0x4;
	v2 =	vsel vm15, $0x1, v0;
	[tilespmem:$0x2880] =	vst v4;
	v4 =	vadd.s32 v60, v7  }
0x3a: {  	vm8 =	veq.s32 v32, $0x8;
	v3 =	vsel vm4, $0x1, v0;
	v2 =	vadd.s32 v2, v5;
	[tilespmem:$0x2A00] =	vst v4  }
0x3b: {  	vm11 =	veq.s32 v32, $0xB;
	v61 =	vsel vm8, $0x1, v0;
	v3 =	vadd.s32 v3, v6;
	[tilespmem:$0x2900] =	vst v2  }
0x3c: {  	vm6 =	veq.s32 v32, $0x6;
	v62 =	vsel vm11, $0x1, v0;
	v4 =	vadd.s32 v61, v10;
	[tilespmem:$0x2980] =	vst v3  }
0x3d: {  	vm7 =	veq.s32 v32, $0x7;
	v2 =	vsel vm6, $0x1, v0;
	[tilespmem:$0x2B80] =	vst v4;
	v4 =	vadd.s32 v62, v13  }
0x3e: {  	vm14 =	veq.s32 v32, $0xE;
	v3 =	vsel vm7, $0x1, v0;
	v2 =	vadd.s32 v2, v8;
	[tilespmem:$0x2D00] =	vst v4  }
0x3f: {  	vm9 =	veq.s32 v32, $0x9;
	v63 =	vsel vm14, $0x1, v0;
	v3 =	vadd.s32 v3, v9;
	[tilespmem:$0x2A80] =	vst v2  }
0x40: {  	vm10 =	veq.s32 v32, $0xA;
	v4 =	vadd.s32 v63, v14;
	v2 =	vsel vm9, $0x1, v0;
	[tilespmem:$0x2B00] =	vst v3  }
0x41: {  	vm12 =	veq.s32 v32, $0xC;
	v3 =	vsel vm10, $0x1, v0;
	[tilespmem:$0x2E80] =	vst v4;
	v2 =	vadd.s32 v2, v11  }
0x42: {  	vm13 =	veq.s32 v32, $0xD;
	v3 =	vadd.s32 v3, v12;
	[tilespmem:$0x2C00] =	vst v2;
	v2 =	vsel vm12, $0x1, v0  }
0x43: {  	vm15 =	veq.s32 v32, $0xF;
	[tilespmem:$0x2C80] =	vst v3;
	v3 =	vsel vm13, $0x1, v0;
	v2 =	vadd.s32 v2, v15  }
0x44: {  	s8 =	sadd.s32 $0x1, s8;
	v3 =	vadd.s32 v3, v16;
	[tilespmem:$0x2D80] =	vst v2;
	v2 =	vsel vm15, $0x1, v0  }
0x45: {  	p0 =	sne.s32 s8, s5;
	[tilespmem:$0x2E00] =	vst v3;
	v1 =	vadd.s32 v2, v1  }
.Ltmp1:
0x46: {  	[tilespmem:$0x2F00] =	vst v1;
	(pc) =	sbr.rel @p0 .LBB2_1-.Ltmp1, $4  }
0x47: {  	[hbm4b:s4+s2] =	stream.linear.scatter [tilespmem:s7], [sflag:$0x1], $0x800, $0x38;
	[tilespmem:$0x2F80] =	vst v63  }
0x48: {  	_ =	swait.ge [sflag:s6], $0x800  }
0x49: {  	[sflag:s6] =	ssyncset.done $0x0  }
0x4a: {  	[sflag:s6] =	ssyncadd.s32 $0xFFFFF800  }
0x4b: {  	_ =	sfence.sel $0x180000  }
0x4c: {  	[bflag:$0x0] =	sbarrier.arrive $0xFFFF  }
0x4d: {  	p0 =	sne.s32 s1, $0x0;
	_ =	strace $0x90000047  }
0x4e: {  	s0 =	sadd.s32 @!p0 $0x100000, s0;
	[bflag:$0x2] =	sbarrier.arrive $0xFFFF  }
0x4f: {  	[sflag:s0] =	ssyncadd.tile.s32 @!p0 $0x1;
	_ =	shalt  }
.Lfunc_end2:
_tile_overlayer_lowered:
.L_overlay_start_2:
0x50: {  	(tag) =	ssettag $0x2  }
0x51: {  	s0 =	rddreg [dreg:$0x0];
	s2 =	stileid.u32  }
0x52: {  	s1 =	rddreg [dreg:$0x1];
	p0 =	sne.s32 s2, $0x0  }
0x53: {  	s3 =	rddreg [dreg:$0x2];
	[bflag:$0x3] =	sbarrier.arrive $0xFFFF;
	s2 =	simm.s32 @!p0 $0x1C01  }
0x54: {  	[timem:s3], [sflag:s2] =	dma.local @!p0 [hbm:s0], s1  }
0x55: {  	s0 =	simm.s32 @!p0 $0x1  }
0x56: {  	_ =	swait.ge @!p0 [sflag:s0], s1  }
0x57: {  	s1 =	ssub.s32 @!p0 $0x0, s1;
	[sflag:s0] =	ssyncset.done @!p0 $0x0  }
0x58: {  	[sflag:s0] =	ssyncadd.s32 @!p0 s1  }
0x59: {  	[bflag:$0x3] =	sbarrier.arrive $0xFFFF  }
0x5a: {  	_ =	shalt  }

</sc_bundles>
